<compile_context>
chip_gen: v7x
topology: tpu7x:2x2x1
jax: 0.10.2.dev20260603
libtpu: 0.0.44.dev20260713+nightly
codegen_flags: <defaults>
</compile_context>

<pallas_src>
import jax
import jax.numpy as jnp
from jax import lax
from jax.experimental import pallas as pl

_NUM_CLASSES = 128
_H = 224
_W = 224
_P = _H * _W
_CB = 32


def _onehot_body(x_ref, o_ref):
    c0 = pl.program_id(1) * _CB
    xv = x_ref[0]
    classes = c0 + lax.broadcasted_iota(jnp.int32, (_CB, 1), 0)
    o_ref[0] = (xv == classes).astype(jnp.int8)


def kernel(x):
    b = x.shape[0]
    x3 = x.astype(jnp.int32).reshape(b, 1, _P)
    out = pl.pallas_call(
        _onehot_body,
        grid=(b, _NUM_CLASSES // _CB),
        in_specs=[
            pl.BlockSpec((1, 1, _P), lambda i, j: (i, 0, 0)),
        ],
        out_specs=pl.BlockSpec((1, _CB, _P), lambda i, j: (i, j, 0)),
        out_shape=jax.ShapeDtypeStruct((b, _NUM_CLASSES, _P), jnp.int8),
    )(x3)
    out4 = out.reshape(b, _NUM_CLASSES, _H, _W)
    return jnp.where(out4 == 0, jnp.float32(0), jnp.float32(1))

# --- scband reference (transcript-rebuilt; emitter-appended) ---
"""Pipeline reference for scband-one-hot-encoder-49100066128544 (READ-ONLY COPY).

The authoritative reference and input builder live on the scoring server;
editing this copy changes nothing except your own understanding.
"""

import jax, jax.numpy as jnp
import numpy as np

NUM_CLASSES = 128
SHAPE = (224, 224)

def setup_inputs(seed: int = 0) -> dict:
    key = jax.random.key(seed)
    x = jax.random.randint(key, (8, SHAPE[0], SHAPE[1]), 0, NUM_CLASSES, dtype=jnp.int64 if jax.config.jax_enable_x64 else jnp.int32)
    return {"x": x}

def reference(x) -> jnp.ndarray:
    x = x.astype(jnp.int32)
    x_flat = x.reshape(-1)
    x_one_hot = jax.nn.one_hot(x_flat, NUM_CLASSES, dtype=jnp.float32)
    x_one_hot = x_one_hot.reshape(-1, SHAPE[0], SHAPE[1], NUM_CLASSES)
    return jnp.transpose(x_one_hot, (0, 3, 1, 2)).astype(jnp.float32)

if __name__ == "__main__":
    import jax
    _d = setup_inputs()
    print(jax.jit(kernel)(*tuple(_d.values())))

</pallas_src>

<mosaic_0001>
module attributes {stable_mosaic.version = 14 : i64} {
  func.func @_onehot_body(%arg0: i32, %arg1: i32, %arg2: memref<1x1x50176xi32, #tpu.memory_space<vmem>>, %arg3: memref<1x32x50176xi8, #tpu.memory_space<vmem>>) attributes {dimension_semantics = [#tpu.dimension_semantics<arbitrary>, #tpu.dimension_semantics<arbitrary>], iteration_bounds = array<i64: 8, 4>, scalar_prefetch = 0 : i64, scratch_operands = 0 : i64, tpu.core_type = #tpu.core_type<tc>, window_params = [{transform_indices = @transform_0, window_bounds = array<i64: 1, 1, 50176>}, {transform_indices = @transform_1, window_bounds = array<i64: 1, 32, 50176>}]} {
    %mul3A = arith.constant 32 : i32
    %mul3A_0 = arith.muli %arg1, %mul3A : i32
    %get3A = arith.constant 0 : index
    %get3A_1 = arith.constant 0 : index
    %get3A_2 = arith.constant 0 : index
    %get3A_3 = vector.load %arg2[%get3A, %get3A_1, %get3A_2] : memref<1x1x50176xi32, #tpu.memory_space<vmem>>, vector<1x1x50176xi32>
    %get3A_4 = vector.shape_cast %get3A_3 : vector<1x1x50176xi32> to vector<1x50176xi32>
    %iota3A = tpu.iota {dimensions = array<i32: 0>} : vector<32x1xi32>
    %add3A = vector.broadcast %mul3A_0 : i32 to vector<32x1xi32>
    %add3A_5 = arith.addi %add3A, %iota3A : vector<32x1xi32>
    %eq3A = vector.broadcast %get3A_4 : vector<1x50176xi32> to vector<32x50176xi32>
    %eq3A_6 = vector.broadcast %add3A_5 : vector<32x1xi32> to vector<32x50176xi32>
    %eq3A_7 = arith.cmpi eq, %eq3A, %eq3A_6 : vector<32x50176xi32>
    %convert_element_type3A = arith.extui %eq3A_7 : vector<32x50176xi1> to vector<32x50176xi8>
    %swap3A = arith.constant 0 : index
    %swap3A_8 = arith.constant 0 : index
    %swap3A_9 = arith.constant 0 : index
    %swap3A_10 = vector.load %arg3[%swap3A, %swap3A_8, %swap3A_9] : memref<1x32x50176xi8, #tpu.memory_space<vmem>>, vector<1x32x50176xi8>
    %swap3A_11 = vector.shape_cast %swap3A_10 : vector<1x32x50176xi8> to vector<32x50176xi8>
    %swap3A_12 = vector.shape_cast %convert_element_type3A : vector<32x50176xi8> to vector<1x32x50176xi8>
    tpu.vector_store %arg3[%swap3A, %swap3A_8, %swap3A_9], %swap3A_12 {strides = array<i32>} : memref<1x32x50176xi8, #tpu.memory_space<vmem>>, vector<1x32x50176xi8>,
    return
  }
  func.func @transform_0(%arg0: i32, %arg1: i32) -> (i32, i32, i32) {
    %c0_i32 = arith.constant 0 : i32
    %c0_i32_0 = arith.constant 0 : i32
    %c0_i32_1 = arith.constant 0 : i32
    return %arg0, %c0_i32, %c0_i32_0 : i32, i32, i32
  }
  func.func @transform_1(%arg0: i32, %arg1: i32) -> (i32, i32, i32) {
    %c0_i32 = arith.constant 0 : i32
    %c0_i32_0 = arith.constant 0 : i32
    return %arg0, %arg1, %c0_i32 : i32, i32, i32
  }
}

</mosaic_0001>

<sc_bundles>
// kernel: sparse-core-data-format-call.cloned.1.call-start
scs
called_computation_lowered:
.L_overlay_start_0:
0x0: {  	s2 =	sld [smem:$0x3FD9]  }
0x1: {  	s3 =	sld [smem:$0x3FFE];
	_ =	sdelay $0x1  }
0x2: {  	s1 =	srdreg.scid  }
0x3: {  	s0 =	sand.u32 $0x1, s1  }
0x4: {  	s18 =	sshll.u32 s0, $0xA;
	s2 =	sadd.s32 s3, s2  }
0x5: {  	s2 =	sadd.s32 s2, s18  }
0x6: {  	[smem:$0x3FC7] =	sst s2  }
0x7: {  	_ = 	snop  }
0x8: {  	s2 =	sld [smem:$0x3FD0];
	(tm) =	ssettm $0x1  }
0x9: {  	s19 =	sld [smem:$0x3FFB];
	_ =	sdelay $0x3  }
0xa: {  	_ =	strace s19  }
0xb: {  	s3 =	sld [smem:$0x3FFC];
	_ =	sdelay $0x3  }
0xc: {  	_ =	strace s3  }
0xd: {  	s3 =	sld [smem:$0x3FFD];
	_ =	sdelay $0x3  }
0xe: {  	_ =	strace s3  }
0xf: {  	_ =	strace $0x8FFFFFFF  }
0x10: {  	s20 =	sld [smem:$0x3FDB];
	_ =	sdelay $0x1  }
0x11: {  	s4 =	simm.s32 $_scs_section_size  }
0x12: {  	s5 =	simm.s32 $_size__tile_overlayer_lowered;
	s6 =	simm.s32 $_tile_overlayer_lowered  }
0x13: {  	s23 =	simm.s32 $0x1BFF;
	s22 =	sshll.u32 s6, $0x1;
	s3 =	sadd.s32 s4, s20  }
0x14: {  	s7 =	simm.s32 $0x0;
	s21 =	sshll.u32 s5, $0x1;
	s5 =	sadd.s32 s22, s3  }
0x15: {  	[timem:s7], [sflag:s23] =	dma.local [hbm:s5], s21  }
0x16: {  	_ =	swait.ge [sflag:s23], s21  }
0x17: {  	s4 =	ssub.s32 $0x0, s21;
	[sflag:s23] =	ssyncset.done $0x0  }
0x18: {  	[sflag:s23] =	ssyncadd.s32 s4;
	_ =	sdelay $0x1  }
0x19: {  	s24 =	simm.s32 $0x1B8B  }
0x1a: {  	_ =	swait.ge [sflag:s24], $0x1  }
0x1b: {  	[sflag:s24] =	ssyncset.done $0x0  }
0x1c: {  	s26 =	simm.s32 $0x1B8E;
	s25 =	sld [smem:$0x3FFE];
	[sflag:s24] =	ssyncadd.s32 $0xFFFFFFFF  }
0x1d: {  	s27 =	simm.s32 $execute0_lowered;
	[smem:$0x3FD2] =	sst s26  }
0x1e: {  	s5 =	sshll.u32 s27, $0x1;
	_ =	strace $0x80000046;
	[dreg:$0x1] =	wrdreg $0xFFFFFFFF  }
0x1f: {  	s28 =	simm.s32 $_size_execute0_lowered;
	s3 =	sadd.s32 s3, s5;
	[dreg:$0x0] =	wrdreg $0x0  }
0x20: {  	s5 =	sshll.u32 s28, $0x1;
	[dreg:$0x2] =	wrdreg s3  }
0x21: {  	[dreg:$0x3] =	wrdreg s5  }
0x22: {  	[dreg:$0x4] =	wrdreg $0xC0  }
0x23: {  	_ =	task [dreg:s7], $0x5FFFF  }
0x24: {  	[dreg:$0x1] =	wrdreg $0xFFFFFFFF  }
0x25: {  	[dreg:$0x0] =	wrdreg $0x60  }
0x26: {  	[dreg:$0x2] =	wrdreg s25  }
0x27: {  	[dreg:$0x3] =	wrdreg s2  }
0x28: {  	[dreg:$0x4] =	wrdreg $0x9  }
0x29: {  	_ =	task.clear_ibuf [dreg:s7], $0x5FFFF;
	_ =	strace $0x90000046  }
0x2a: {  	s29 =	simm.s32 $0x9;
	_ =	strace $0x80000048  }
0x2b: {  	_ =	swait.ge [sflag:s29], $0x1  }
0x2c: {  	[sflag:s29] =	ssyncadd.s32 $0xFFFFFFFF  }
0x2d: {  	_ =	strace $0x90000048  }
0x2e: {  	_ =	sfence  }
0x2f: {  	s30 =	sld [smem:$0x0];
	_ =	sdelay $0x2  }
0x30: {  	s31 =	sshll.u32 s1, $0xD;
	s1 =	sshrl.u32 s1, $0x2  }
0x31: {  	s3 =	sand.u32 $0x4000, s31;
	s1 =	sadd.s32 s1, s30  }
0x32: {  	s0 =	sor.u32 s3, s0;
	s1 =	sshll.u32 s1, $0x11  }
0x33: {  	s0 =	sor.u32 s1, s0  }
0x34: {  	s0 =	sadd.s32 $0x8F2B, s0  }
0x35: {  	[sflag:s0] =	ssyncadd.remote.s32 $0x1  }
0x36: {  	_ =	sfence.sel $0xFFFF  }
0x37: {  	[dreg:$0x0] =	wrdreg $0xFFFFFFFF;
	(pc) =	sbr.abs _section_cstart, $3  }
0x38: {  	[dreg:$0x1] =	wrdreg $0xFFFFFFFF  }
0x39: {  	_ =	task.clear_ibuf [dreg:s7], $0x2FFFF;
	_ =	strace $0x9FFFFFFF  }
0x3a: {  	(tm) =	ssettm $0x7FFFFFFF  }
0x3b: {  	_ =	shalt  }
tec
execute0_lowered:
.L_overlay_start_1:
0x0: {  	(tag) =	ssettag $0x1  }
0x1: {  	s0 =	stileid.u32  }
0x2: {  	s1 =	srdreg.scid;
	s4 =	rddreg [dreg:$0x0]  }
0x3: {  	s7 =	simm.s32 $0x1;
	s8 =	simm.s32 $0x2;
	s15 =	simm.s32 $0x0  }
0x4: {  	s13 =	simm.s32 $0x0;
	s2 =	sshll.u32 s0, $0x4;
	s1 =	sshll.u32 s1, $0x8  }
0x5: {  	s14 =	simm.s32 $0x0;
	s10 =	simm.s32 $0x0;
	s1 =	sor.u32 s2, s1  }
0x6: {  	s12 =	simm.s32 $0x0;
	s2 =	rddreg [dreg:$0x1];
	s3 =	sand.u32 $0x180, s1  }
0x7: {  	s4 =	sadd.s32 $0x400, s4;
	s1 =	rddreg [dreg:$0x2];
	s6 =	ssub.s32 $0xC400, s3  }
.Ltmp0:
0x8: {  	_ =	strace $0x80000047;
	s5 =	sand.u32 $0x180, s6;
	(pc) =	sbr.rel .LBB1_1-.Ltmp0, $4  }
0x9: {  	s9 =	smov.u32 s3;
	p0 =	sne.s32 s5, $0x0;
	s5 =	simm.s32 $0x1  }
0xa: {  	s6 =	sshrl.u32 s6, $0x9;
	s7 =	simm.s32 @!p0 $0x0;
	[sflag:s5] =	ssyncpa.u1 $0x0  }
0xb: {  	p0 =	por $0x0, $0x0;
	s6 =	sadd.s32 s7, s6;
	s7 =	sand.u32 $0x7, s0  }
0xc: {  	[sflag:s8] =	ssyncpa.u1 $0x0;
	s8 =	sadd.s32 $0x1, s6;
	s11 =	smov.u32 s7  }
.LBB1_4:
0xd: {  	s15 =	sshll.u32 s15, $0x7;
	s21 =	sshll.u32 s13, $0x3  }
0xe: {  	v5 =	vld [tilespmem:s19+$0xFFFFFFD0];
	[tilespmem:s18+$0x2040 ss:$0x81] =	vst.msk $0xffff, v4;
	s22 =	sand.u32 $0xFFFFFC00, s15;
	s21 =	sand.u32 $0xFFFFFC00, s21  }
0xf: {  	v58 =	vld [tilespmem:s19+$0xFFFFFFE0];
	[tilespmem:s18+$0x2850 ss:$0x81] =	vst.msk $0xffff, v2;
	s15 =	sand.u32 $0x380, s15;
	s21 =	sadd.s32 s21, s22  }
0x10: {  	s20 =	sshra.s32 s20, $0x2;
	v59 =	vld [tilespmem:s19+$0xFFFFFFF0];
	[tilespmem:s18+$0x3060 ss:$0x81] =	vst.msk $0xffff, v3;
	s15 =	sor.u32 s15, s21  }
0x11: {  	v60 =	vld [tilespmem:s19+$0x0];
	[tilespmem:s18+$0x0 ss:$0x81] =	vst.msk $0xffff, v0;
	s17 =	sadd.s32 s20, s17;
	s15 =	sshrl.u32 s15, $0x7  }
0x12: {  	v61 =	vld [tilespmem:s19+$0x10];
	[tilespmem:s17+$0x3870 ss:$0x81] =	vst.msk $0xffff, v1;
	s28 =	smulhi.u32 $0x14E5E0B, s15  }
0x13: {  	v62 =	vld [tilespmem:s19+$0x20];
	[tilespmem:s17+$0x810 ss:$0x81] =	vst.msk $0xffff, v5  }
0x14: {  	v63 =	vld [tilespmem:s19+$0xFFFFFFC0];
	s14 =	smul.u32 $0xC4000, s14;
	[tilespmem:s17+$0x1020 ss:$0x81] =	vst.msk $0xffff, v58;
	s18 =	sshrl.u32 s28, $0x8  }
0x15: {  	[tilespmem:s17+$0x1830 ss:$0x81] =	vst.msk $0xffff, v59;
	s18 =	smul.u32 $0xC400, s18  }
0x16: {  	s29 =	sshrl.u32 s13, $0x3;
	[tilespmem:s17+$0x2040 ss:$0x81] =	vst.msk $0xffff, v60  }
0x17: {  	s30 =	sand.u32 $0xF, s29;
	s14 =	sadd.s32 s2, s14;
	[tilespmem:s17+$0x2850 ss:$0x81] =	vst.msk $0xffff, v61;
	s15 =	ssub.s32 s15, s18  }
0x18: {  	s14 =	sadd.s32 s30, s14;
	[tilespmem:s17+$0x3060 ss:$0x81] =	vst.msk $0xffff, v62;
	s15 =	sshll.u32 s15, $0x4  }
0x19: {  	s31 =	sand.u32 $0x7, s13;
	[tilespmem:s17+$0x0 ss:$0x81] =	vst.msk $0xffff, v63;
	s14 =	sadd.s32 s15, s14  }
0x1a: {  	[hbm4b:s14+s31] =	stream.linear.scatter [tilespmem:s16], [sflag:$0x2], $0x4000, $0x20;
	[tilespmem:$0x10100] =	vst v63  }
.LBB1_5:
0x1b: {  	s16 =	sadd.s32 $0x200, s9  }
0x1c: {  	s13 =	sadd.s32 $0x80, s10;
	s17 =	smov.u32 s10;
	p2 =	sgt.s32 s16, $0xC3FF  }
0x1d: {  	s17 =	smov.u32 @p2 s13  }
0x1e: {  	s19 =	smov.u32 s11;
	s13 =	sadd.s32 $0x8, s11;
	p3 =	sgt.s32 s17, $0x7F  }
0x1f: {  	s19 =	smov.u32 @p3 s13  }
0x20: {  	s16 =	smov.u32 @p2 s3;
	p2 =	sgt.s32 s19, $0x7  }
0x21: {  	p1 =	slt.u32 s12, $0x2;
	s19 =	smov.u32 @p2 s7;
	p2 =	sne.s32 s12, s8  }
.Ltmp1:
0x22: {  	s18 =	simm.s32 @!p1 $0x2;
	(pc) =	sbr.rel @!p2 .LBB1_6-.Ltmp1, $4  }
0x23: {  	s15 =	smov.u32 s9;
	s14 =	smov.u32 s11;
	_ =	swait.ge @!p1 [sflag:s18], $0x4000  }
0x24: {  	p0 =	por !p0, !p0;
	[sflag:s18] =	ssyncset.done @!p1 $0x0;
	s9 =	smov.u32 s16  }
0x25: {  	s17 =	simm.s32 @p3 $0x0;
	s13 =	smov.u32 s10;
	[sflag:s18] =	ssyncadd.s32 @!p1 $0xFFFFC000  }
0x26: {  	s10 =	smov.u32 s17;
	s12 =	sadd.s32 $0x1, s12;
	s11 =	smov.u32 s19  }
.LBB1_1:
0x27: {  	p1 =	sge.u32 s12, s6  }
0x28: {  	s16 =	sshrl.u32 @!p1 s10, $0x3  }
0x29: {  	s17 =	sshll.u32 @!p1 s9, $0x3;
	s18 =	sshll.u32 @!p1 s10, $0x7;
	s16 =	smul.u32 @!p1 $0x62000, s16  }
0x2a: {  	s19 =	sand.u32 @!p1 $0x7F, s9;
	s17 =	sand.u32 @!p1 $0xFFFFFC00, s17;
	s18 =	sand.u32 @!p1 $0x380, s18  }
0x2b: {  	s16 =	sadd.s32 @!p1 s16, s17;
	s17 =	sor.u32 @!p1 s19, s18  }
0x2c: {  	s17 =	sor.u32 @!p1 s16, s17  }
0x2d: {  	s18 =	smulhi.u32 @!p1 $0x5397829D, s17  }
0x2e: {  	s16 =	smulhi.u32 @!p1 $0x5397829D, s16  }
0x2f: {  	s18 =	sshrl.u32 @!p1 s18, $0xE  }
0x30: {  	s31 =	sadd.s32 $0xFFFFFFFF, s12;
	s16 =	sshrl.u32 @!p1 s16, $0xE;
	s18 =	smul.u32 @!p1 $0xC400, s18  }
0x31: {  	s20 =	smul.u32 @!p1 $0xC4000, s11;
	s19 =	sxor.u32 @!p1 $0xFFFFFFFF, s12;
	s16 =	sand.u32 @!p1 $0x7F, s16  }
0x32: {  	s19 =	sshll.u32 @!p1 s19, $0xE;
	s16 =	smul.u32 @!p1 $0x1880, s16;
	s17 =	ssub.s32 @!p1 s17, s18  }
0x33: {  	s18 =	sand.u32 @!p1 $0x4000, s19;
	s19 =	sadd.s32 @!p1 s4, s20;
	s20 =	sand.u32 @!p1 $0x7, s17  }
0x34: {  	s17 =	sshrl.u32 @!p1 s17, $0x3;
	s16 =	sadd.s32 @!p1 s16, s19;
	s19 =	sshll.u32 @!p1 s20, $0x12  }
0x35: {  	s16 =	sadd.s32 @!p1 s17, s16;
	s17 =	sor.u32 @!p1 $0x400, s19;
	s19 =	simm.s32 @!p1 $0x62000  }
0x36: {  	[tilespmem:s18], [sflag:$0x1] =	stream.strided.gather @!p1 [hbm4b:s16+s17], $0x4000, s19, s17, $0x38;
	[tilespmem:$0x10100] =	vst v63  }
0x37: {  	p1 =	sge.u32 s31, s6  }
.Ltmp2:
0x38: {  	_ = 	snop;
	(pc) =	sbr.rel @p1 .LBB1_5-.Ltmp2, $1  }
0x39: {  	_ =	sdelay $0x3  }
0x3a: {  	s16 =	simm.s32 $0x1  }
0x3b: {  	_ =	swait.ge [sflag:s5], $0x4000;
	s16 =	simm.s32 @!p0 $0x0  }
0x3c: {  	[sflag:s5] =	ssyncset.done $0x0;
	s17 =	sshll.u32 s16, $0xE  }
0x3d: {  	[sflag:s5] =	ssyncadd.s32 $0xFFFFC000;
	s19 =	sor.u32 $0x40, s17  }
0x3e: {  	s16 =	smul.u32 $0x10200, s16;
	v0 =	vld [tilespmem:s19+$0x30]  }
0x3f: {  	v1 =	vld [tilespmem:s19+$0xFFFFFFD0]  }
0x40: {  	s16 =	sshrl.u32 s16, $0x2;
	v5 =	vld [tilespmem:s19+$0xFFFFFFE0]  }
0x41: {  	v6 =	vld [tilespmem:s19+$0xFFFFFFF0];
	s17 =	sor.u32 $0x8000, s16  }
0x42: {  	s31 =	sand.u32 $0x1, s12;
	v4 =	vld [tilespmem:s19+$0x0];
	s18 =	sadd.s32 $0x0, s17  }
0x43: {  	v2 =	vld [tilespmem:s19+$0x10];
	s16 =	smul.u32 $0x10200, s31;
	[tilespmem:s18+$0x3870 ss:$0x81] =	vst.msk $0xffff, v0  }
0x44: {  	v3 =	vld [tilespmem:s19+$0x20];
	[tilespmem:s18+$0x810 ss:$0x81] =	vst.msk $0xffff, v1  }
0x45: {  	s16 =	sshrl.u32 s16, $0x2;
	v0 =	vld [tilespmem:s19+$0xFFFFFFC0];
	[tilespmem:s18+$0x1020 ss:$0x81] =	vst.msk $0xffff, v5;
	s19 =	sadd.s32 $0x80, s19  }
0x46: {  	s20 =	simm.s32 $0x4;
	s21 =	simm.s32 $0x8;
	s16 =	sor.u32 $0x8000, s16;
	[tilespmem:s18+$0x1830 ss:$0x81] =	vst.msk $0xffff, v6;
	v1 =	vld [tilespmem:s19+$0x30]  }
.LBB1_3:
0x47: {  	p1 =	sne.s32 s21, $0x1FC;
	v5 =	vld [tilespmem:s19+$0xFFFFFFD0];
	[tilespmem:s18+$0x2040 ss:$0x81] =	vst.msk $0xffff, v4  }
0x48: {  	v6 =	vld [tilespmem:s19+$0xFFFFFFE0];
	[tilespmem:s18+$0x2850 ss:$0x81] =	vst.msk $0xffff, v2  }
0x49: {  	s22 =	sshra.s32 s20, $0x2;
	s20 =	smov.u32 s21;
	v7 =	vld [tilespmem:s19+$0xFFFFFFF0];
	[tilespmem:s18+$0x3060 ss:$0x81] =	vst.msk $0xffff, v3  }
.Ltmp3:
0x4a: {  	v4 =	vld [tilespmem:s19+$0x0];
	[tilespmem:s18+$0x0 ss:$0x81] =	vst.msk $0xffff, v0;
	s18 =	sadd.s32 s22, s17;
	(pc) =	sbr.rel @p1 .LBB1_3-.Ltmp3, $4  }
0x4b: {  	v2 =	vld [tilespmem:s19+$0x10];
	[tilespmem:s18+$0x3870 ss:$0x81] =	vst.msk $0xffff, v1  }
0x4c: {  	[tilespmem:s18+$0x810 ss:$0x81] =	vst.msk $0xffff, v5;
	v3 =	vld [tilespmem:s19+$0x20]  }
0x4d: {  	v0 =	vld [tilespmem:s19+$0xFFFFFFC0];
	[tilespmem:s18+$0x1020 ss:$0x81] =	vst.msk $0xffff, v6;
	s19 =	sadd.s32 $0x80, s19  }
0x4e: {  	s21 =	sadd.s32 $0x4, s21;
	v1 =	vld [tilespmem:s19+$0x30];
	[tilespmem:s18+$0x1830 ss:$0x81] =	vst.msk $0xffff, v7  }
.Ltmp4:
0x4f: {  	_ = 	snop;
	(pc) =	sbr.rel .LBB1_4-.Ltmp4, $1  }
0x50: {  	_ =	sdelay $0x3  }
.LBB1_6:
0x51: {  	_ =	sfence.sel $0x180000  }
0x52: {  	s2 =	simm.s32 $0x1;
	[bflag:$0x0] =	sbarrier.arrive $0xFFFF  }
0x53: {  	s31 =	simm.s32 $0x2;
	[sflag:s2] =	ssyncpa.u1 $0x1  }
0x54: {  	[sflag:s31] =	ssyncpa.u1 $0x1  }
0x55: {  	p0 =	sne.s32 s0, $0x0;
	_ =	strace $0x90000047  }
0x56: {  	s0 =	sadd.s32 @!p0 $0x100000, s1;
	[bflag:$0x2] =	sbarrier.arrive $0xFFFF  }
0x57: {  	[sflag:s0] =	ssyncadd.tile.s32 @!p0 $0x1;
	_ =	shalt  }
.Lfunc_end1:
_tile_overlayer_lowered:
.L_overlay_start_2:
0x58: {  	(tag) =	ssettag $0x2  }
0x59: {  	s0 =	rddreg [dreg:$0x0];
	s2 =	stileid.u32  }
0x5a: {  	s1 =	rddreg [dreg:$0x1];
	p0 =	sne.s32 s2, $0x0  }
0x5b: {  	s3 =	rddreg [dreg:$0x2];
	[bflag:$0x3] =	sbarrier.arrive $0xFFFF;
	s2 =	simm.s32 @!p0 $0x1C01  }
0x5c: {  	[timem:s3], [sflag:s2] =	dma.local @!p0 [hbm:s0], s1  }
0x5d: {  	s0 =	simm.s32 @!p0 $0x1  }
0x5e: {  	_ =	swait.ge @!p0 [sflag:s0], s1  }
0x5f: {  	s1 =	ssub.s32 @!p0 $0x0, s1;
	[sflag:s0] =	ssyncset.done @!p0 $0x0  }
0x60: {  	[sflag:s0] =	ssyncadd.s32 @!p0 s1  }
0x61: {  	[bflag:$0x3] =	sbarrier.arrive $0xFFFF  }
0x62: {  	_ =	shalt  }

</sc_bundles>
